<compile_context>
chip_gen: v7x
topology: tpu7x:2x2x1
jax: 0.10.2.dev20260603
libtpu: 0.0.44.dev20260713+nightly
codegen_flags: <defaults>
</compile_context>

<pallas_src>
import functools

import jax
import jax.numpy as jnp
import numpy as np
from jax import lax
from jax.experimental import pallas as pl
from jax.experimental.pallas import tpu as pltpu
from jax.experimental.pallas import tpu_sc as plsc

_DIM_USED = np.array(
    [6, 7, 8, 9, 10, 11, 12, 13, 14, 15, 16, 17, 21, 22, 23, 24, 25, 26,
     27, 28, 29, 30, 31, 32, 36, 37, 38, 39, 40, 41, 42, 43, 44, 45, 46,
     47, 51, 52, 53, 54, 55, 56, 57, 58, 59, 63, 64, 65, 66, 67, 68, 75,
     76, 77, 78, 79, 80, 81, 82, 83, 87, 88, 89, 90, 91, 92],
    dtype=np.int32)

_B, _T, _C = 4096, 50, 96
_K = _DIM_USED.shape[0]
_ROWS = _B * _T
_R = 320
_UNROLL = 8


@functools.lru_cache(maxsize=1)
def _build():
    info = plsc.get_sparse_core_info()
    nc, ns, lanes = info.num_cores, info.num_subcores, info.num_lanes
    nw = nc * ns
    rows_w = _ROWS // nw
    n_chunks = rows_w // _R
    ng = _R * _K // lanes

    idx_np = (np.arange(_R)[:, None] * _C + _DIM_USED[None, :]).astype(
        np.int32).reshape(-1)

    mesh = plsc.VectorSubcoreMesh(core_axis_name="c", subcore_axis_name="s")

    @functools.partial(
        pl.kernel,
        mesh=mesh,
        compiler_params=pltpu.CompilerParams(needs_layout_passes=False),
        out_type=jax.ShapeDtypeStruct((_ROWS * _K,), jnp.float32),
        scratch_types=[
            pltpu.VMEM((_R * _K,), jnp.int32),
            pltpu.VMEM((_R * _C,), jnp.float32),
            pltpu.VMEM((_R * _K,), jnp.float32),
        ],
    )
    def sc_select(x_hbm, idx_hbm, out_hbm, idx_v, in_v, out_v):
        wid = lax.axis_index("s") * nc + lax.axis_index("c")
        pltpu.sync_copy(idx_hbm, idx_v)
        row0 = wid * rows_w

        def chunk_body(c, carry):
            base = row0 + c * _R
            src_off = pl.multiple_of(base * _C, 8)
            dst_off = pl.multiple_of(base * _K, 8)
            pltpu.sync_copy(x_hbm.at[pl.ds(src_off, _R * _C)], in_v)

            def grp(g, carry2):
                for u in range(_UNROLL):
                    o = (g * _UNROLL + u) * lanes
                    iv = idx_v[pl.ds(o, lanes)]
                    out_v[pl.ds(o, lanes)] = plsc.load_gather(in_v, [iv])
                return carry2

            lax.fori_loop(0, ng // _UNROLL, grp, 0)
            pltpu.sync_copy(out_v, out_hbm.at[pl.ds(dst_off, _R * _K)])
            return carry

        lax.fori_loop(0, n_chunks, chunk_body, 0)

    return sc_select


def kernel(observed_pose):
    sc_select = _build()
    x = observed_pose.reshape(_ROWS * _C)
    idx = jnp.asarray(
        (np.arange(_R)[:, None] * _C + _DIM_USED[None, :]).astype(
            np.int32).reshape(-1))
    out = sc_select(x, idx)
    return out.reshape(_B, _T, _K)

# --- scband reference (transcript-rebuilt; emitter-appended) ---
"""Pipeline reference for scband-preprocess-11965778887321 (READ-ONLY COPY).

The authoritative reference and input builder live on the scoring server;
editing this copy changes nothing except your own understanding.
"""

import jax, jax.numpy as jnp
import numpy as np

dim_used = np.array([6, 7, 8, 9, 10, 11, 12, 13, 14, 15, 16, 17, 21, 22, 23, 24, 25, 26, 27, 28, 29, 30, 31, 32, 36, 37, 38, 39, 40, 41, 42, 43, 44, 45, 46, 47, 51, 52, 53, 54, 55, 56, 57, 58, 59, 63, 64, 65, 66, 67, 68, 75, 76, 77, 78, 79, 80, 81, 82, 83, 87, 88, 89, 90, 91, 92])

def setup_inputs(seed: int = 0) -> dict:
    key = jax.random.key(seed)
    observed_pose = jax.random.normal(key, (4096, 50, 96), dtype=jnp.float32)
    return {"observed_pose": observed_pose}

def reference(observed_pose):
    idx = jnp.asarray(dim_used, dtype=jnp.int32)
    return jnp.take(observed_pose, idx, axis=2)

if __name__ == "__main__":
    import jax
    _d = setup_inputs()
    print(jax.jit(kernel)(*tuple(_d.values())))

</pallas_src>

<mosaic_0001>
#map = affine_map<(d0, d1) -> (0)>
module attributes {stable_mosaic.version = 14 : i64} {
  func.func @sc_select(%arg0: i32, %arg1: i32, %arg2: memref<19660800xf32, #tpu.memory_space<hbm>>, %arg3: memref<21120xi32, #tpu.memory_space<hbm>>, %arg4: memref<13516800xf32, #tpu.memory_space<hbm>>, %arg5: memref<21120xi32, #tpu.memory_space<vmem>>, %arg6: memref<30720xf32, #tpu.memory_space<vmem>>, %arg7: memref<21120xf32, #tpu.memory_space<vmem>>) attributes {dimension_semantics = [#tpu.dimension_semantics<core_parallel>, #tpu.dimension_semantics<subcore_parallel>], iteration_bounds = array<i64: 2, 16>, scalar_prefetch = 0 : i64, scratch_operands = 3 : i64, tpu.core_type = #tpu.core_type<sc_vector_subcore>, window_params = [{transform_indices = #map}, {transform_indices = #map}, {transform_indices = #map}]} {
    %mul3A = arith.constant 2 : i32
    %mul3A_0 = arith.muli %arg1, %mul3A : i32
    %add3A = arith.addi %mul3A_0, %arg0 : i32
    "tpu.region"() ({
      %run_scoped3A = tpu.sem_alloc : memref<!tpu.dma_semaphore, #tpu.memory_space<semaphore_mem>>
      tpu.enqueue_dma source(%arg3 : memref<21120xi32, #tpu.memory_space<hbm>>) target(%arg5 : memref<21120xi32, #tpu.memory_space<vmem>>) target_semaphore(%run_scoped3A : memref<!tpu.dma_semaphore, #tpu.memory_space<semaphore_mem>>)
      tpu.wait_dma2 semaphore(%run_scoped3A : memref<!tpu.dma_semaphore, #tpu.memory_space<semaphore_mem>>) src(%arg3 : memref<21120xi32, #tpu.memory_space<hbm>>) dst(%arg5 : memref<21120xi32, #tpu.memory_space<vmem>>)
      tpu.yield
    }) : () -> ()
    %mul3A_1 = arith.constant 6400 : i32
    %mul3A_2 = arith.muli %add3A, %mul3A_1 : i32
    %scan3A = arith.constant 0 : i32
    %scan3A_3 = arith.constant 0 : i32
    %scan3A_4 = arith.constant 20 : i32
    %scan3A_5 = arith.addi %scan3A_3, %scan3A_4 : i32
    %scan3A_6 = arith.constant 1 : i32
    scf.for %scan3A_8 = %scan3A_3 to %scan3A_5 step %scan3A_6  : i32 {
      %mul3A_9 = arith.constant 320 : i32
      %mul3A_10 = arith.muli %scan3A_8, %mul3A_9 : i32
      %add3A_11 = arith.addi %mul3A_2, %mul3A_10 : i32
      %mul3A_12 = arith.constant 96 : i32
      %mul3A_13 = arith.muli %add3A_11, %mul3A_12 : i32
      %multiple_of3A = tpu.assume_multiple %mul3A_13, 8 : i32
      %mul3A_14 = arith.constant 66 : i32
      %mul3A_15 = arith.muli %add3A_11, %mul3A_14 : i32
      %multiple_of3A_16 = tpu.assume_multiple %mul3A_15, 8 : i32
      "tpu.region"() ({
        %run_scoped3A = tpu.sem_alloc : memref<!tpu.dma_semaphore, #tpu.memory_space<semaphore_mem>>
        %dma_start3A = tpu.memref_slice %arg2[%multiple_of3A] : memref<19660800xf32, #tpu.memory_space<hbm>> -> memref<30720xf32, #tpu.memory_space<hbm>>
        %dma_start3A_23 = tpu.memref_slice %arg2[%multiple_of3A] : memref<19660800xf32, #tpu.memory_space<hbm>> -> memref<30720xf32, #tpu.memory_space<hbm>>
        tpu.enqueue_dma source(%dma_start3A_23 : memref<30720xf32, #tpu.memory_space<hbm>>) target(%arg6 : memref<30720xf32, #tpu.memory_space<vmem>>) target_semaphore(%run_scoped3A : memref<!tpu.dma_semaphore, #tpu.memory_space<semaphore_mem>>)
        %dma_wait3A = tpu.memref_slice %arg2[%multiple_of3A] : memref<19660800xf32, #tpu.memory_space<hbm>> -> memref<30720xf32, #tpu.memory_space<hbm>>
        %dma_wait3A_24 = tpu.memref_slice %arg2[%multiple_of3A] : memref<19660800xf32, #tpu.memory_space<hbm>> -> memref<30720xf32, #tpu.memory_space<hbm>>
        tpu.wait_dma2 semaphore(%run_scoped3A : memref<!tpu.dma_semaphore, #tpu.memory_space<semaphore_mem>>) src(%dma_wait3A_24 : memref<30720xf32, #tpu.memory_space<hbm>>) dst(%arg6 : memref<30720xf32, #tpu.memory_space<vmem>>)
        tpu.yield
      }) : () -> ()
      %scan3A_17 = arith.constant 0 : i32
      %scan3A_18 = arith.constant 0 : i32
      %scan3A_19 = arith.constant 165 : i32
      %scan3A_20 = arith.addi %scan3A_18, %scan3A_19 : i32
      %scan3A_21 = arith.constant 1 : i32
      scf.for %scan3A_23 = %scan3A_18 to %scan3A_20 step %scan3A_21  : i32 {
        %mul3A_24 = arith.constant 8 : i32
        %mul3A_25 = arith.muli %scan3A_23, %mul3A_24 : i32
        %add3A_26 = arith.constant 0 : i32
        %add3A_27 = arith.addi %mul3A_25, %add3A_26 : i32
        %mul3A_28 = arith.constant 16 : i32
        %mul3A_29 = arith.muli %add3A_27, %mul3A_28 : i32
        %get3A = arith.index_cast %mul3A_29 : i32 to index
        %get3A_30 = tpu.vector_load %arg5[%get3A] {strides = array<i32>} : memref<21120xi32, #tpu.memory_space<vmem>>, vector<16xi32>,
        %gather3A = tpu.vector_load_idx %arg6[%get3A_30] : memref<30720xf32, #tpu.memory_space<vmem>>[vector<16xi32>], vector<16xf32>,
        %swap3A = arith.index_cast %mul3A_29 : i32 to index
        %swap3A_31 = tpu.vector_load %arg7[%swap3A] {strides = array<i32>} : memref<21120xf32, #tpu.memory_space<vmem>>, vector<16xf32>,
        tpu.vector_store %arg7[%swap3A], %gather3A {strides = array<i32>} : memref<21120xf32, #tpu.memory_space<vmem>>, vector<16xf32>,
        %mul3A_32 = arith.constant 8 : i32
        %mul3A_33 = arith.muli %scan3A_23, %mul3A_32 : i32
        %add3A_34 = arith.constant 1 : i32
        %add3A_35 = arith.addi %mul3A_33, %add3A_34 : i32
        %mul3A_36 = arith.constant 16 : i32
        %mul3A_37 = arith.muli %add3A_35, %mul3A_36 : i32
        %get3A_38 = arith.index_cast %mul3A_37 : i32 to index
        %get3A_39 = tpu.vector_load %arg5[%get3A_38] {strides = array<i32>} : memref<21120xi32, #tpu.memory_space<vmem>>, vector<16xi32>,
        %gather3A_40 = tpu.vector_load_idx %arg6[%get3A_39] : memref<30720xf32, #tpu.memory_space<vmem>>[vector<16xi32>], vector<16xf32>,
        %swap3A_41 = arith.index_cast %mul3A_37 : i32 to index
        %swap3A_42 = tpu.vector_load %arg7[%swap3A_41] {strides = array<i32>} : memref<21120xf32, #tpu.memory_space<vmem>>, vector<16xf32>,
        tpu.vector_store %arg7[%swap3A_41], %gather3A_40 {strides = array<i32>} : memref<21120xf32, #tpu.memory_space<vmem>>, vector<16xf32>,
        %mul3A_43 = arith.constant 8 : i32
        %mul3A_44 = arith.muli %scan3A_23, %mul3A_43 : i32
        %add3A_45 = arith.constant 2 : i32
        %add3A_46 = arith.addi %mul3A_44, %add3A_45 : i32
        %mul3A_47 = arith.constant 16 : i32
        %mul3A_48 = arith.muli %add3A_46, %mul3A_47 : i32
        %get3A_49 = arith.index_cast %mul3A_48 : i32 to index
        %get3A_50 = tpu.vector_load %arg5[%get3A_49] {strides = array<i32>} : memref<21120xi32, #tpu.memory_space<vmem>>, vector<16xi32>,
        %gather3A_51 = tpu.vector_load_idx %arg6[%get3A_50] : memref<30720xf32, #tpu.memory_space<vmem>>[vector<16xi32>], vector<16xf32>,
        %swap3A_52 = arith.index_cast %mul3A_48 : i32 to index
        %swap3A_53 = tpu.vector_load %arg7[%swap3A_52] {strides = array<i32>} : memref<21120xf32, #tpu.memory_space<vmem>>, vector<16xf32>,
        tpu.vector_store %arg7[%swap3A_52], %gather3A_51 {strides = array<i32>} : memref<21120xf32, #tpu.memory_space<vmem>>, vector<16xf32>,
        %mul3A_54 = arith.constant 8 : i32
        %mul3A_55 = arith.muli %scan3A_23, %mul3A_54 : i32
        %add3A_56 = arith.constant 3 : i32
        %add3A_57 = arith.addi %mul3A_55, %add3A_56 : i32
        %mul3A_58 = arith.constant 16 : i32
        %mul3A_59 = arith.muli %add3A_57, %mul3A_58 : i32
        %get3A_60 = arith.index_cast %mul3A_59 : i32 to index
        %get3A_61 = tpu.vector_load %arg5[%get3A_60] {strides = array<i32>} : memref<21120xi32, #tpu.memory_space<vmem>>, vector<16xi32>,
        %gather3A_62 = tpu.vector_load_idx %arg6[%get3A_61] : memref<30720xf32, #tpu.memory_space<vmem>>[vector<16xi32>], vector<16xf32>,
        %swap3A_63 = arith.index_cast %mul3A_59 : i32 to index
        %swap3A_64 = tpu.vector_load %arg7[%swap3A_63] {strides = array<i32>} : memref<21120xf32, #tpu.memory_space<vmem>>, vector<16xf32>,
        tpu.vector_store %arg7[%swap3A_63], %gather3A_62 {strides = array<i32>} : memref<21120xf32, #tpu.memory_space<vmem>>, vector<16xf32>,
        %mul3A_65 = arith.constant 8 : i32
        %mul3A_66 = arith.muli %scan3A_23, %mul3A_65 : i32
        %add3A_67 = arith.constant 4 : i32
        %add3A_68 = arith.addi %mul3A_66, %add3A_67 : i32
        %mul3A_69 = arith.constant 16 : i32
        %mul3A_70 = arith.muli %add3A_68, %mul3A_69 : i32
        %get3A_71 = arith.index_cast %mul3A_70 : i32 to index
        %get3A_72 = tpu.vector_load %arg5[%get3A_71] {strides = array<i32>} : memref<21120xi32, #tpu.memory_space<vmem>>, vector<16xi32>,
        %gather3A_73 = tpu.vector_load_idx %arg6[%get3A_72] : memref<30720xf32, #tpu.memory_space<vmem>>[vector<16xi32>], vector<16xf32>,
        %swap3A_74 = arith.index_cast %mul3A_70 : i32 to index
        %swap3A_75 = tpu.vector_load %arg7[%swap3A_74] {strides = array<i32>} : memref<21120xf32, #tpu.memory_space<vmem>>, vector<16xf32>,
        tpu.vector_store %arg7[%swap3A_74], %gather3A_73 {strides = array<i32>} : memref<21120xf32, #tpu.memory_space<vmem>>, vector<16xf32>,
        %mul3A_76 = arith.constant 8 : i32
        %mul3A_77 = arith.muli %scan3A_23, %mul3A_76 : i32
        %add3A_78 = arith.constant 5 : i32
        %add3A_79 = arith.addi %mul3A_77, %add3A_78 : i32
        %mul3A_80 = arith.constant 16 : i32
        %mul3A_81 = arith.muli %add3A_79, %mul3A_80 : i32
        %get3A_82 = arith.index_cast %mul3A_81 : i32 to index
        %get3A_83 = tpu.vector_load %arg5[%get3A_82] {strides = array<i32>} : memref<21120xi32, #tpu.memory_space<vmem>>, vector<16xi32>,
        %gather3A_84 = tpu.vector_load_idx %arg6[%get3A_83] : memref<30720xf32, #tpu.memory_space<vmem>>[vector<16xi32>], vector<16xf32>,
        %swap3A_85 = arith.index_cast %mul3A_81 : i32 to index
        %swap3A_86 = tpu.vector_load %arg7[%swap3A_85] {strides = array<i32>} : memref<21120xf32, #tpu.memory_space<vmem>>, vector<16xf32>,
        tpu.vector_store %arg7[%swap3A_85], %gather3A_84 {strides = array<i32>} : memref<21120xf32, #tpu.memory_space<vmem>>, vector<16xf32>,
        %mul3A_87 = arith.constant 8 : i32
        %mul3A_88 = arith.muli %scan3A_23, %mul3A_87 : i32
        %add3A_89 = arith.constant 6 : i32
        %add3A_90 = arith.addi %mul3A_88, %add3A_89 : i32
        %mul3A_91 = arith.constant 16 : i32
        %mul3A_92 = arith.muli %add3A_90, %mul3A_91 : i32
        %get3A_93 = arith.index_cast %mul3A_92 : i32 to index
        %get3A_94 = tpu.vector_load %arg5[%get3A_93] {strides = array<i32>} : memref<21120xi32, #tpu.memory_space<vmem>>, vector<16xi32>,
        %gather3A_95 = tpu.vector_load_idx %arg6[%get3A_94] : memref<30720xf32, #tpu.memory_space<vmem>>[vector<16xi32>], vector<16xf32>,
        %swap3A_96 = arith.index_cast %mul3A_92 : i32 to index
        %swap3A_97 = tpu.vector_load %arg7[%swap3A_96] {strides = array<i32>} : memref<21120xf32, #tpu.memory_space<vmem>>, vector<16xf32>,
        tpu.vector_store %arg7[%swap3A_96], %gather3A_95 {strides = array<i32>} : memref<21120xf32, #tpu.memory_space<vmem>>, vector<16xf32>,
        %mul3A_98 = arith.constant 8 : i32
        %mul3A_99 = arith.muli %scan3A_23, %mul3A_98 : i32
        %add3A_100 = arith.constant 7 : i32
        %add3A_101 = arith.addi %mul3A_99, %add3A_100 : i32
        %mul3A_102 = arith.constant 16 : i32
        %mul3A_103 = arith.muli %add3A_101, %mul3A_102 : i32
        %get3A_104 = arith.index_cast %mul3A_103 : i32 to index
        %get3A_105 = tpu.vector_load %arg5[%get3A_104] {strides = array<i32>} : memref<21120xi32, #tpu.memory_space<vmem>>, vector<16xi32>,
        %gather3A_106 = tpu.vector_load_idx %arg6[%get3A_105] : memref<30720xf32, #tpu.memory_space<vmem>>[vector<16xi32>], vector<16xf32>,
        %swap3A_107 = arith.index_cast %mul3A_103 : i32 to index
        %swap3A_108 = tpu.vector_load %arg7[%swap3A_107] {strides = array<i32>} : memref<21120xf32, #tpu.memory_space<vmem>>, vector<16xf32>,
        tpu.vector_store %arg7[%swap3A_107], %gather3A_106 {strides = array<i32>} : memref<21120xf32, #tpu.memory_space<vmem>>, vector<16xf32>,
      }
      %scan3A_22 = arith.constant 165 : i32
      "tpu.region"() ({
        %run_scoped3A = tpu.sem_alloc : memref<!tpu.dma_semaphore, #tpu.memory_space<semaphore_mem>>
        %dma_start3A = tpu.memref_slice %arg4[%multiple_of3A_16] : memref<13516800xf32, #tpu.memory_space<hbm>> -> memref<21120xf32, #tpu.memory_space<hbm>>
        %dma_start3A_23 = tpu.memref_slice %arg4[%multiple_of3A_16] : memref<13516800xf32, #tpu.memory_space<hbm>> -> memref<21120xf32, #tpu.memory_space<hbm>>
        tpu.enqueue_dma source(%arg7 : memref<21120xf32, #tpu.memory_space<vmem>>) target(%dma_start3A_23 : memref<21120xf32, #tpu.memory_space<hbm>>) target_semaphore(%run_scoped3A : memref<!tpu.dma_semaphore, #tpu.memory_space<semaphore_mem>>)
        %dma_wait3A = tpu.memref_slice %arg4[%multiple_of3A_16] : memref<13516800xf32, #tpu.memory_space<hbm>> -> memref<21120xf32, #tpu.memory_space<hbm>>
        %dma_wait3A_24 = tpu.memref_slice %arg4[%multiple_of3A_16] : memref<13516800xf32, #tpu.memory_space<hbm>> -> memref<21120xf32, #tpu.memory_space<hbm>>
        tpu.wait_dma2 semaphore(%run_scoped3A : memref<!tpu.dma_semaphore, #tpu.memory_space<semaphore_mem>>) src(%arg7 : memref<21120xf32, #tpu.memory_space<vmem>>) dst(%dma_wait3A_24 : memref<21120xf32, #tpu.memory_space<hbm>>)
        tpu.yield
      }) : () -> ()
    }
    %scan3A_7 = arith.constant 20 : i32
    return
  }
}

</mosaic_0001>

<sc_bundles>
// kernel: kernel.3.cloned.1.call-start
scs
__scs_entry_jumppad:
0x0: {  	(pc) =	sbr.rel $0x88, $3  }
0x1: {  	(tag) =	ssettag $0x0;
	lr =	simm.s32 $0x1  }
0x2: {  	[smem:$0x3FA0] =	sst lr;
	_ =	strace $0xD0000000  }
0x3: {  	_ = 	snop  }
0x4: {  	_ = 	snop  }
0x5: {  	_ = 	snop  }
0x6: {  	_ = 	snop  }
0x7: {  	_ = 	snop  }
__scs_overlays_trampoline_lowered:
0x8: {  	[smem:$0x3FAF] =	sst s0  }
0x9: {  	[smem:$0x3FB0] =	sst s1  }
0xa: {  	[smem:$0x3FB1] =	sst s2  }
0xb: {  	[smem:$0x3FB2] =	sst s3  }
0xc: {  	[smem:$0x3FB3] =	sst s4  }
0xd: {  	[smem:$0x3FB4] =	sst s5  }
0xe: {  	[smem:$0x3FB5] =	sst s6  }
0xf: {  	[smem:$0x3FB6] =	sst s7  }
0x10: {  	[smem:$0x3FB7] =	sst s8  }
0x11: {  	[smem:$0x3FB8] =	sst s9;
	s0 =	simm.s32 @!p0 $0x0  }
0x12: {  	s1 =	sld [smem:$0x3F9E];
	s0 =	simm.s32 @p0 $0x1  }
0x13: {  	[smem:$0x3FB9] =	sst s0;
	s0 =	simm.s32 @!p1 $0x0  }
0x14: {  	s2 =	sld [smem:$0x3F9D];
	s0 =	simm.s32 @p1 $0x1  }
0x15: {  	[smem:$0x3FBA] =	sst s0;
	s0 =	simm.s32 @!p2 $0x0  }
0x16: {  	s3 =	sld [smem:$0x3FDB];
	s0 =	simm.s32 @p2 $0x1  }
0x17: {  	s4 =	simm.s32 $0x1BF5;
	[smem:$0x3FBC] =	sst s0  }
0x18: {  	s0 =	sld [smem:$0x3F9F];
	_ =	swait.ge [sflag:s4], $0x0  }
0x19: {  	s7 =	sld [smem:$0x3FA0]  }
0x1a: {  	s8 =	sadd.s32 $0xFFFFE003, lr  }
0x1b: {  	s9 =	sadd.s32 $0xFFFFFEF7, lr;
	s5 =	simm.s32 $0xFFFFFFFF;
	p2 =	slt.u32 s8, $0xFFFFF086  }
0x1c: {  	p1 =	slt.u32 s9, $0xF7A;
	s5 =	simm.s32 @!p2 $0x0  }
0x1d: {  	s5 =	simm.s32 @p1 $0x1;
	p0 =	seq.s32 s7, s2  }
0x1e: {  	s7 =	smul.u32 @!p0 $0xF7A, s2;
	p2 =	seq.s32 @!p0 s5, $0x0  }
0x1f: {  	s9 =	smul.u32 $0xF7A, s1;
	s8 =	simm.s32 @!p0 $0x1BF5;
	p2 =	por !p2, p0  }
0x20: {  	[sflag:s8] =	ssyncset.s32 @!p0 $0xFFFFF086;
	s6 =	sadd.s32 @!p0 s3, s7;
	s7 =	simm.s32 @!p0 $0x108  }
0x21: {  	s3 =	sadd.s32 s3, s9;
	s6 =	sadd.s32 @!p0 $0x88, s6;
	s7 =	simm.s32 @p2 $0x1082  }
0x22: {  	[simem:s7], [sflag:s8] =	dma.local @!p0 [hbm:s6], $0xF7A  }
0x23: {  	s9 =	sor.u32 $0xD0000000, s2;
	s6 =	simm.s32 $0x108;
	_ =	swait.ge @!p0 [sflag:s8], $0x0  }
0x24: {  	s3 =	sadd.s32 $0x88, s3;
	s6 =	simm.s32 @!p1 $0x1082;
	[sflag:s4] =	ssyncset.s32 $0xFFFFF086  }
0x25: {  	[simem:s6], [sflag:s4] =	dma.local [hbm:s3], $0xF7A  }
0x26: {  	[smem:$0x3FA0] =	sst s1;
	(tag) =	ssettag s2;
	_ =	strace s9  }
0x27: {  	s1 =	sld [smem:$0x3FB0]  }
0x28: {  	s2 =	sld [smem:$0x3FB1]  }
0x29: {  	s4 =	sld [smem:$0x3FB3]  }
0x2a: {  	p0 =	seq.s32 s5, $0x0;
	s5 =	sld [smem:$0x3FB4]  }
0x2b: {  	s6 =	sld [smem:$0x3FB5]  }
0x2c: {  	s7 =	sld [smem:$0x3FB6]  }
0x2d: {  	s3 =	simm.s32 $0x108;
	s8 =	sld [smem:$0x3FB7]  }
0x2e: {  	s3 =	simm.s32 @!p0 $0x1082;
	s9 =	sld [smem:$0x3FB8]  }
0x2f: {  	lr =	sadd.s32 s0, s3;
	s0 =	sld [smem:$0x3FAF]  }
0x30: {  	s3 =	sld [smem:$0x3FB2]  }
0x31: {  	[smem:$0x3FBB] =	sst s10  }
0x32: {  	s10 =	sld [smem:$0x3FB9];
	_ =	sdelay $0x3  }
0x33: {  	p0 =	seq.s32 s10, $0x1;
	s10 =	sld [smem:$0x3FBB];
	_ =	sdelay $0x3  }
0x34: {  	[smem:$0x3FBB] =	sst s10  }
0x35: {  	s10 =	sld [smem:$0x3FBA];
	_ =	sdelay $0x3  }
0x36: {  	p1 =	seq.s32 s10, $0x1;
	s10 =	sld [smem:$0x3FBB];
	_ =	sdelay $0x3  }
0x37: {  	[smem:$0x3FBB] =	sst s10  }
0x38: {  	s10 =	sld [smem:$0x3FBC]  }
0x39: {  	_ = 	snop;
	(pc) =	sbr.ind lr, $3  }
0x3a: {  	_ = 	snop  }
0x3b: {  	_ = 	snop  }
0x3c: {  	p2 =	seq.s32 s10, $0x1;
	s10 =	sld [smem:$0x3FBB]  }
0x3d: {  	_ =	shalt  }
0x3e: {  	_ =	shalt  }
0x3f: {  	_ =	shalt  }
0x40: {  	_ =	shalt  }
0x41: {  	_ =	shalt  }
0x42: {  	_ =	shalt  }
0x43: {  	_ =	shalt  }
0x44: {  	_ =	shalt  }
0x45: {  	_ =	shalt  }
0x46: {  	_ =	shalt  }
0x47: {  	_ =	shalt  }
0x48: {  	_ =	shalt  }
0x49: {  	_ =	shalt  }
0x4a: {  	_ =	shalt  }
0x4b: {  	_ =	shalt  }
0x4c: {  	_ =	shalt  }
0x4d: {  	_ =	shalt  }
0x4e: {  	_ =	shalt  }
0x4f: {  	_ =	shalt  }
0x50: {  	_ =	shalt  }
0x51: {  	_ =	shalt  }
0x52: {  	_ =	shalt  }
0x53: {  	_ =	shalt  }
0x54: {  	_ =	shalt  }
0x55: {  	_ =	shalt  }
0x56: {  	_ =	shalt  }
0x57: {  	_ =	shalt  }
0x58: {  	_ =	shalt  }
0x59: {  	_ =	shalt  }
0x5a: {  	_ =	shalt  }
0x5b: {  	_ =	shalt  }
0x5c: {  	_ =	shalt  }
0x5d: {  	_ =	shalt  }
0x5e: {  	_ =	shalt  }
0x5f: {  	_ =	shalt  }
0x60: {  	_ =	shalt  }
0x61: {  	_ =	shalt  }
0x62: {  	_ =	shalt  }
0x63: {  	_ =	shalt  }
0x64: {  	_ =	shalt  }
0x65: {  	_ =	shalt  }
0x66: {  	_ =	shalt  }
0x67: {  	_ =	shalt  }
0x68: {  	_ =	shalt  }
0x69: {  	_ =	shalt  }
0x6a: {  	_ =	shalt  }
0x6b: {  	_ =	shalt  }
0x6c: {  	_ =	shalt  }
0x6d: {  	_ =	shalt  }
0x6e: {  	_ =	shalt  }
0x6f: {  	_ =	shalt  }
0x70: {  	_ =	shalt  }
0x71: {  	_ =	shalt  }
0x72: {  	_ =	shalt  }
0x73: {  	_ =	shalt  }
0x74: {  	_ =	shalt  }
0x75: {  	_ =	shalt  }
0x76: {  	_ =	shalt  }
0x77: {  	_ =	shalt  }
0x78: {  	_ =	shalt  }
0x79: {  	_ =	shalt  }
0x7a: {  	_ =	shalt  }
0x7b: {  	_ =	shalt  }
0x7c: {  	_ =	shalt  }
0x7d: {  	_ =	shalt  }
0x7e: {  	_ =	shalt  }
0x7f: {  	_ =	shalt  }
0x80: {  	_ =	shalt  }
0x81: {  	_ =	shalt  }
0x82: {  	_ =	shalt  }
0x83: {  	_ =	shalt  }
0x84: {  	_ =	shalt  }
0x85: {  	_ =	shalt  }
0x86: {  	_ =	shalt  }
0x87: {  	_ =	shalt  }
.Lfunc_end0:
.L_simem_size_0:
called_computation.1_lowered:
.L_overlay_start_0:
0x88: {  	s2 =	sld [smem:$0x3FD9]  }
0x89: {  	s3 =	sld [smem:$0x3FFE];
	_ =	sdelay $0x1  }
0x8a: {  	s1 =	srdreg.scid  }
0x8b: {  	s0 =	sand.u32 $0x1, s1  }
0x8c: {  	s17 =	sshll.u32 s0, $0xA;
	s2 =	sadd.s32 s3, s2  }
0x8d: {  	s2 =	sadd.s32 s2, s17  }
0x8e: {  	[smem:$0x3FC7] =	sst s2  }
0x8f: {  	_ = 	snop  }
0x90: {  	s2 =	sld [smem:$0x3FD0];
	(tm) =	ssettm $0x1  }
0x91: {  	s18 =	sld [smem:$0x3FFB];
	_ =	sdelay $0x3  }
0x92: {  	_ =	strace s18  }
0x93: {  	s3 =	sld [smem:$0x3FFC];
	_ =	sdelay $0x3  }
0x94: {  	_ =	strace s3  }
0x95: {  	s3 =	sld [smem:$0x3FFD];
	_ =	sdelay $0x3  }
0x96: {  	_ =	strace s3  }
0x97: {  	_ =	strace $0x8FFFFFFF  }
0x98: {  	s19 =	sld [smem:$0x3FDB];
	_ =	sdelay $0x1  }
0x99: {  	s4 =	simm.s32 $_scs_section_size  }
0x9a: {  	s5 =	simm.s32 $_size__tile_overlayer_lowered;
	s6 =	simm.s32 $_tile_overlayer_lowered  }
0x9b: {  	s22 =	simm.s32 $0x1BFF;
	s21 =	sshll.u32 s6, $0x1;
	s3 =	sadd.s32 s4, s19  }
0x9c: {  	s7 =	simm.s32 $0x0;
	s20 =	sshll.u32 s5, $0x1;
	s5 =	sadd.s32 s21, s3  }
0x9d: {  	[timem:s7], [sflag:s22] =	dma.local [hbm:s5], s20  }
0x9e: {  	_ =	swait.ge [sflag:s22], s20  }
0x9f: {  	s4 =	ssub.s32 $0x0, s20;
	[sflag:s22] =	ssyncset.done $0x0  }
0xa0: {  	[sflag:s22] =	ssyncadd.s32 s4;
	_ =	sdelay $0x1  }
0xa1: {  	s23 =	simm.s32 $0x1B8B  }
0xa2: {  	_ =	swait.ge [sflag:s23], $0x1  }
0xa3: {  	[sflag:s23] =	ssyncset.done $0x0  }
0xa4: {  	s25 =	simm.s32 $0x1B8E;
	s24 =	sld [smem:$0x3FFE];
	[sflag:s23] =	ssyncadd.s32 $0xFFFFFFFF  }
0xa5: {  	s26 =	simm.s32 $execute0_lowered;
	[smem:$0x3FD2] =	sst s25  }
0xa6: {  	s5 =	sshll.u32 s26, $0x1;
	_ =	strace $0x80000046;
	[dreg:$0x1] =	wrdreg $0xFFFFFFFF  }
0xa7: {  	s28 =	simm.s32 $_size_execute0_lowered;
	s3 =	sadd.s32 s3, s5;
	[dreg:$0x0] =	wrdreg $0x0  }
0xa8: {  	s5 =	sshll.u32 s28, $0x1;
	[dreg:$0x2] =	wrdreg s3  }
0xa9: {  	[dreg:$0x3] =	wrdreg s5  }
0xaa: {  	[dreg:$0x4] =	wrdreg $0xC0  }
0xab: {  	_ =	task [dreg:s7], $0x5FFFF  }
0xac: {  	[dreg:$0x1] =	wrdreg $0xFFFFFFFF  }
0xad: {  	[dreg:$0x0] =	wrdreg $0x60  }
0xae: {  	[dreg:$0x2] =	wrdreg s24  }
0xaf: {  	[dreg:$0x3] =	wrdreg s2  }
0xb0: {  	[dreg:$0x4] =	wrdreg $0x9  }
0xb1: {  	_ =	task.clear_ibuf [dreg:s7], $0x5FFFF;
	_ =	strace $0x90000046  }
0xb2: {  	s29 =	simm.s32 $0x9;
	_ =	strace $0x80000048  }
0xb3: {  	_ =	swait.ge [sflag:s29], $0x1  }
0xb4: {  	[sflag:s29] =	ssyncadd.s32 $0xFFFFFFFF  }
0xb5: {  	_ =	strace $0x90000048  }
0xb6: {  	_ =	sfence  }
0xb7: {  	s30 =	sld [smem:$0x0];
	_ =	sdelay $0x2  }
0xb8: {  	s31 =	sshll.u32 s1, $0xD;
	s1 =	sshrl.u32 s1, $0x2  }
0xb9: {  	s3 =	sand.u32 $0x4000, s31;
	s1 =	sadd.s32 s1, s30  }
0xba: {  	s0 =	sor.u32 s3, s0;
	s1 =	sshll.u32 s1, $0x11  }
0xbb: {  	s0 =	sor.u32 s1, s0  }
0xbc: {  	s0 =	sadd.s32 $0x8F2B, s0  }
0xbd: {  	[sflag:s0] =	ssyncadd.remote.s32 $0x1  }
0xbe: {  	_ =	sfence.sel $0xFFFF  }
0xbf: {  	[dreg:$0x0] =	wrdreg $0xFFFFFFFF;
	(pc) =	sbr.abs _section_cstart, $3  }
0xc0: {  	[dreg:$0x1] =	wrdreg $0xFFFFFFFF  }
0xc1: {  	_ =	task.clear_ibuf [dreg:s7], $0x2FFFF;
	_ =	strace $0x9FFFFFFF  }
0xc2: {  	(tm) =	ssettm $0x7FFFFFFF  }
0xc3: {  	_ =	shalt  }
tec
execute0_lowered:
.L_overlay_start_1:
0x0: {  	(tag) =	ssettag $0x1  }
0x1: {  	s5 =	rddreg [dreg:$0x0]  }
0x2: {  	s1 =	rddreg [dreg:$0x1]  }
0x3: {  	s0 =	rddreg [dreg:$0x2];
	s2 =	simm.s32 $0x0  }
0x4: {  	s3 =	srdreg.scid;
	s10 =	simm.s32 $0xCA80;
	s11 =	simm.s32 $0x0  }
0x5: {  	[smem:$0x7FF] =	sst s2;
	s6 =	sand.u32 $0x1, s3;
	s3 =	stileid.u32  }
0x6: {  	s4 =	sadd.s32 $0x380A00, s5;
	s5 =	sadd.s32 $0xA00, s5;
	s7 =	ssub.s32 $0x2, s6  }
0x7: {  	_ =	strace $0x80000047;
	s9 =	sshll.u32 s3, $0x1;
	s8 =	sshrl.u32 s7, $0x1  }
0x8: {  	s6 =	sor.u32 s6, s9;
	s9 =	simm.s32 $0x5280;
	s7 =	ssub.s32 s7, s8  }
0x9: {  	s6 =	smul.u32 $0x1900, s6;
	s8 =	simm.s32 $0x1;
	s7 =	smax.u32 s7, $0x1  }
.LBB2_1:
0xa: {  	[tilespmem:s2], [sflag:$0x1] =	stream.linear.gather [hbm4b:s5+s2], $0x5280, $0x38;
	[tilespmem:$0x11D00] =	vst v63  }
0xb: {  	_ =	swait.ge [sflag:s8], $0x5280  }
0xc: {  	[sflag:s8] =	ssyncset.done $0x0  }
0xd: {  	s12 =	simm.s32 $0x0;
	[sflag:s8] =	ssyncadd.s32 $0xFFFFAD80  }
.LBB2_2:
0xe: {  	s13 =	smul.u32 $0x140, s12;
	_ =	sdelay $0x1  }
0xf: {  	s13 =	sadd.s32 s6, s13  }
0x10: {  	s14 =	smul.u32 $0xC, s13;
	_ =	sdelay $0x1  }
0x11: {  	s15 =	simm.s32 $0x0;
	s14 =	sadd.s32 s4, s14  }
0x12: {  	[tilespmem:s9], [sflag:$0x1] =	stream.linear.gather [hbm4b:s14+s15], $0x7800, $0x38;
	[tilespmem:$0x11D00] =	vst v63  }
0x13: {  	_ =	swait.ge [sflag:s8], $0x7800  }
0x14: {  	[sflag:s8] =	ssyncset.done $0x0  }
0x15: {  	s14 =	simm.s32 $0x0;
	[sflag:s8] =	ssyncadd.s32 $0xFFFF8800  }
0x16: {  	v0 =	vld [tilespmem:s14+$0x0];
	_ =	sdelay $0x5  }
0x17: {  	v1 =	vld [tilespmem:s14+$0x10];
	_ =	sdelay $0x1  }
0x18: {  	v0 =	vld.idx.msk [tilespmem:v0+s9+$0x0], $0xffff;
	_ =	sdelay $0x4  }
0x19: {  	[tilespmem:s14+$0xCA80] =	vst v0;
	v0 =	vld [tilespmem:s14+$0x20]  }
0x1a: {  	v1 =	vld.idx.msk [tilespmem:v1+s9+$0x0], $0xffff;
	_ =	sdelay $0x4  }
0x1b: {  	[tilespmem:s14+$0xCA90] =	vst v1;
	v1 =	vld [tilespmem:s14+$0x30];
	_ =	sdelay $0x1  }
0x1c: {  	v0 =	vld.idx.msk [tilespmem:v0+s9+$0x0], $0xffff;
	_ =	sdelay $0x4  }
0x1d: {  	[tilespmem:s14+$0xCAA0] =	vst v0;
	v0 =	vld [tilespmem:s14+$0x40]  }
0x1e: {  	v1 =	vld.idx.msk [tilespmem:v1+s9+$0x0], $0xffff;
	_ =	sdelay $0x4  }
0x1f: {  	[tilespmem:s14+$0xCAB0] =	vst v1;
	v1 =	vld [tilespmem:s14+$0x50];
	_ =	sdelay $0x1  }
0x20: {  	v0 =	vld.idx.msk [tilespmem:v0+s9+$0x0], $0xffff;
	_ =	sdelay $0x4  }
0x21: {  	v2 =	vld [tilespmem:s14+$0x60];
	[tilespmem:s14+$0xCAC0] =	vst v0  }
0x22: {  	v0 =	vld.idx.msk [tilespmem:v1+s9+$0x0], $0xffff;
	_ =	sdelay $0x4  }
0x23: {  	[tilespmem:s14+$0xCAD0] =	vst v0;
	v0 =	vld [tilespmem:s14+$0x70];
	_ =	sdelay $0x1  }
0x24: {  	v1 =	vld.idx.msk [tilespmem:v2+s9+$0x0], $0xffff;
	_ =	sdelay $0x3  }
0x25: {  	s16 =	simm.s32 $0x80;
	s15 =	simm.s32 $0x400  }
.LBB2_3:
0x26: {  	p0 =	sne.s32 s15, $0x14800;
	v2 =	vld [tilespmem:s16+$0x0];
	[tilespmem:s14+$0xCAE0] =	vst v1  }
0x27: {  	v0 =	vld.idx.msk [tilespmem:v0+s9+$0x0], $0xffff;
	_ =	sdelay $0x5  }
0x28: {  	v1 =	vld [tilespmem:s16+$0x10];
	[tilespmem:s14+$0xCAF0] =	vst v0;
	s14 =	smov.u32 s16  }
0x29: {  	v0 =	vld.idx.msk [tilespmem:v2+s9+$0x0], $0xffff;
	_ =	sdelay $0x5  }
0x2a: {  	[tilespmem:s14+$0xCA80] =	vst v0;
	v0 =	vld [tilespmem:s14+$0x20]  }
0x2b: {  	v1 =	vld.idx.msk [tilespmem:v1+s9+$0x0], $0xffff;
	_ =	sdelay $0x5  }
0x2c: {  	[tilespmem:s14+$0xCA90] =	vst v1;
	v1 =	vld [tilespmem:s14+$0x30]  }
0x2d: {  	v0 =	vld.idx.msk [tilespmem:v0+s9+$0x0], $0xffff;
	_ =	sdelay $0x5  }
0x2e: {  	[tilespmem:s14+$0xCAA0] =	vst v0;
	v0 =	vld [tilespmem:s14+$0x40]  }
0x2f: {  	v1 =	vld.idx.msk [tilespmem:v1+s9+$0x0], $0xffff;
	_ =	sdelay $0x5  }
0x30: {  	[tilespmem:s14+$0xCAB0] =	vst v1;
	v1 =	vld [tilespmem:s14+$0x50]  }
0x31: {  	v0 =	vld.idx.msk [tilespmem:v0+s9+$0x0], $0xffff;
	_ =	sdelay $0x5  }
0x32: {  	[tilespmem:s14+$0xCAC0] =	vst v0;
	v2 =	vld [tilespmem:s14+$0x60]  }
0x33: {  	v0 =	vld.idx.msk [tilespmem:v1+s9+$0x0], $0xffff;
	_ =	sdelay $0x5  }
0x34: {  	[tilespmem:s14+$0xCAD0] =	vst v0;
	v0 =	vld [tilespmem:s14+$0x70]  }
0x35: {  	v1 =	vld.idx.msk [tilespmem:v2+s9+$0x0], $0xffff  }
.Ltmp0:
0x36: {  	(pc) =	sbr.rel @p0 .LBB2_3-.Ltmp0, $2  }
0x37: {  	_ =	sdelay $0x2  }
0x38: {  	s16 =	sshra.s32 s15, $0x2;
	s15 =	sadd.s32 $0x200, s15  }
0x39: {  	_ =	sdelay $0x1  }
0x3a: {  	v2 =	vld [tilespmem:s16+$0x0]  }
0x3b: {  	[tilespmem:s14+$0xCAE0] =	vst v1  }
0x3c: {  	v0 =	vld.idx.msk [tilespmem:v0+s9+$0x0], $0xffff;
	_ =	sdelay $0x3  }
0x3d: {  	v1 =	vld [tilespmem:s16+$0x10]  }
0x3e: {  	[tilespmem:s14+$0xCAF0] =	vst v0  }
0x3f: {  	v0 =	vld.idx.msk [tilespmem:v2+s9+$0x0], $0xffff;
	_ =	sdelay $0x3  }
0x40: {  	v58 =	vld [tilespmem:s16+$0x20]  }
0x41: {  	[tilespmem:s16+$0xCA80] =	vst v0  }
0x42: {  	v1 =	vld.idx.msk [tilespmem:v1+s9+$0x0], $0xffff;
	_ =	sdelay $0x3  }
0x43: {  	v59 =	vld [tilespmem:s16+$0x30]  }
0x44: {  	[tilespmem:s16+$0xCA90] =	vst v1  }
0x45: {  	v0 =	vld.idx.msk [tilespmem:v58+s9+$0x0], $0xffff;
	_ =	sdelay $0x3  }
0x46: {  	v60 =	vld [tilespmem:s16+$0x40]  }
0x47: {  	[tilespmem:s16+$0xCAA0] =	vst v0  }
0x48: {  	v1 =	vld.idx.msk [tilespmem:v59+s9+$0x0], $0xffff;
	_ =	sdelay $0x3  }
0x49: {  	v61 =	vld [tilespmem:s16+$0x50]  }
0x4a: {  	[tilespmem:s16+$0xCAB0] =	vst v1  }
0x4b: {  	v0 =	vld.idx.msk [tilespmem:v60+s9+$0x0], $0xffff;
	_ =	sdelay $0x3  }
0x4c: {  	v62 =	vld [tilespmem:s16+$0x60]  }
0x4d: {  	[tilespmem:s16+$0xCAC0] =	vst v0  }
0x4e: {  	v1 =	vld.idx.msk [tilespmem:v61+s9+$0x0], $0xffff;
	_ =	sdelay $0x3  }
0x4f: {  	v63 =	vld [tilespmem:s16+$0x70]  }
0x50: {  	[tilespmem:s16+$0xCAD0] =	vst v1  }
0x51: {  	v0 =	vld.idx.msk [tilespmem:v62+s9+$0x0], $0xffff;
	_ =	sdelay $0x4  }
0x52: {  	[tilespmem:s16+$0xCAE0] =	vst v0  }
0x53: {  	v0 =	vld.idx.msk [tilespmem:v63+s9+$0x0], $0xffff;
	_ =	sdelay $0x1  }
0x54: {  	s13 =	smul.u32 $0x42, s13  }
0x55: {  	s12 =	sadd.s32 $0x1, s12  }
0x56: {  	p0 =	sne.s32 s12, $0x14;
	s13 =	sshrl.u32 s13, $0x3  }
.Ltmp1:
0x57: {  	s13 =	sadd.s32 s1, s13;
	[tilespmem:s16+$0xCAF0] =	vst v0;
	(pc) =	sbr.rel @p0 .LBB2_2-.Ltmp1, $4  }
0x58: {  	[hbm4b:s13+s2] =	stream.linear.scatter [tilespmem:s10], [sflag:$0x1], $0x5280, $0x38;
	[tilespmem:$0x11D00] =	vst v63  }
0x59: {  	_ =	swait.ge [sflag:s8], $0x5280  }
0x5a: {  	[sflag:s8] =	ssyncset.done $0x0  }
0x5b: {  	[sflag:s8] =	ssyncadd.s32 $0xFFFFAD80  }
0x5c: {  	s11 =	sadd.s32 $0x1, s11  }
0x5d: {  	p0 =	sne.s32 s11, s7  }
.Ltmp2:
0x5e: {  	_ = 	snop;
	(pc) =	sbr.rel @p0 .LBB2_1-.Ltmp2, $1  }
0x5f: {  	_ =	sdelay $0x3  }
0x60: {  	_ =	sfence.sel $0x180000  }
0x61: {  	[bflag:$0x0] =	sbarrier.arrive $0xFFFF  }
0x62: {  	p0 =	sne.s32 s3, $0x0;
	_ =	strace $0x90000047  }
0x63: {  	s0 =	sadd.s32 @!p0 $0x100000, s0;
	[bflag:$0x2] =	sbarrier.arrive $0xFFFF  }
0x64: {  	[sflag:s0] =	ssyncadd.tile.s32 @!p0 $0x1;
	_ =	shalt  }
.Lfunc_end2:
_tile_overlayer_lowered:
.L_overlay_start_2:
0x65: {  	(tag) =	ssettag $0x2  }
0x66: {  	s0 =	rddreg [dreg:$0x0];
	s2 =	stileid.u32  }
0x67: {  	s1 =	rddreg [dreg:$0x1];
	p0 =	sne.s32 s2, $0x0  }
0x68: {  	s3 =	rddreg [dreg:$0x2];
	[bflag:$0x3] =	sbarrier.arrive $0xFFFF;
	s2 =	simm.s32 @!p0 $0x1C01  }
0x69: {  	[timem:s3], [sflag:s2] =	dma.local @!p0 [hbm:s0], s1  }
0x6a: {  	s0 =	simm.s32 @!p0 $0x1  }
0x6b: {  	_ =	swait.ge @!p0 [sflag:s0], s1  }
0x6c: {  	s1 =	ssub.s32 @!p0 $0x0, s1;
	[sflag:s0] =	ssyncset.done @!p0 $0x0  }
0x6d: {  	[sflag:s0] =	ssyncadd.s32 @!p0 s1  }
0x6e: {  	[bflag:$0x3] =	sbarrier.arrive $0xFFFF  }
0x6f: {  	_ =	shalt  }

// kernel: sparse-core-data-format-call.cloned.1.call-start
scs
called_computation_lowered:
.L_overlay_start_0:
0x0: {  	s2 =	sld [smem:$0x3FD9]  }
0x1: {  	s3 =	sld [smem:$0x3FFE];
	_ =	sdelay $0x1  }
0x2: {  	s1 =	srdreg.scid  }
0x3: {  	s0 =	sand.u32 $0x1, s1  }
0x4: {  	s18 =	sshll.u32 s0, $0xA;
	s2 =	sadd.s32 s3, s2  }
0x5: {  	s2 =	sadd.s32 s2, s18  }
0x6: {  	[smem:$0x3FC7] =	sst s2  }
0x7: {  	_ = 	snop  }
0x8: {  	s2 =	sld [smem:$0x3FD0];
	(tm) =	ssettm $0x1  }
0x9: {  	s19 =	sld [smem:$0x3FFB];
	_ =	sdelay $0x3  }
0xa: {  	_ =	strace s19  }
0xb: {  	s3 =	sld [smem:$0x3FFC];
	_ =	sdelay $0x3  }
0xc: {  	_ =	strace s3  }
0xd: {  	s3 =	sld [smem:$0x3FFD];
	_ =	sdelay $0x3  }
0xe: {  	_ =	strace s3  }
0xf: {  	_ =	strace $0x8FFFFFFF  }
0x10: {  	s20 =	sld [smem:$0x3FDB];
	_ =	sdelay $0x1  }
0x11: {  	s4 =	simm.s32 $_scs_section_size  }
0x12: {  	s5 =	simm.s32 $_size__tile_overlayer_lowered;
	s6 =	simm.s32 $_tile_overlayer_lowered  }
0x13: {  	s23 =	simm.s32 $0x1BFF;
	s22 =	sshll.u32 s6, $0x1;
	s3 =	sadd.s32 s4, s20  }
0x14: {  	s7 =	simm.s32 $0x0;
	s21 =	sshll.u32 s5, $0x1;
	s5 =	sadd.s32 s22, s3  }
0x15: {  	[timem:s7], [sflag:s23] =	dma.local [hbm:s5], s21  }
0x16: {  	_ =	swait.ge [sflag:s23], s21  }
0x17: {  	s4 =	ssub.s32 $0x0, s21;
	[sflag:s23] =	ssyncset.done $0x0  }
0x18: {  	[sflag:s23] =	ssyncadd.s32 s4;
	_ =	sdelay $0x1  }
0x19: {  	s24 =	simm.s32 $0x1B8B  }
0x1a: {  	_ =	swait.ge [sflag:s24], $0x1  }
0x1b: {  	[sflag:s24] =	ssyncset.done $0x0  }
0x1c: {  	s26 =	simm.s32 $0x1B8E;
	s25 =	sld [smem:$0x3FFE];
	[sflag:s24] =	ssyncadd.s32 $0xFFFFFFFF  }
0x1d: {  	s27 =	simm.s32 $execute0_lowered;
	[smem:$0x3FD2] =	sst s26  }
0x1e: {  	s5 =	sshll.u32 s27, $0x1;
	_ =	strace $0x80000049;
	[dreg:$0x1] =	wrdreg $0xFFFFFFFF  }
0x1f: {  	s28 =	simm.s32 $_size_execute0_lowered;
	s3 =	sadd.s32 s3, s5;
	[dreg:$0x0] =	wrdreg $0x0  }
0x20: {  	s5 =	sshll.u32 s28, $0x1;
	[dreg:$0x2] =	wrdreg s3  }
0x21: {  	[dreg:$0x3] =	wrdreg s5  }
0x22: {  	[dreg:$0x4] =	wrdreg $0xC0  }
0x23: {  	_ =	task [dreg:s7], $0x5FFFF  }
0x24: {  	[dreg:$0x1] =	wrdreg $0xFFFFFFFF  }
0x25: {  	[dreg:$0x0] =	wrdreg $0x60  }
0x26: {  	[dreg:$0x2] =	wrdreg s25  }
0x27: {  	[dreg:$0x3] =	wrdreg s2  }
0x28: {  	[dreg:$0x4] =	wrdreg $0x9  }
0x29: {  	_ =	task.clear_ibuf [dreg:s7], $0x5FFFF;
	_ =	strace $0x90000049  }
0x2a: {  	s29 =	simm.s32 $0x9;
	_ =	strace $0x8000004B  }
0x2b: {  	_ =	swait.ge [sflag:s29], $0x1  }
0x2c: {  	[sflag:s29] =	ssyncadd.s32 $0xFFFFFFFF  }
0x2d: {  	_ =	strace $0x9000004B  }
0x2e: {  	_ =	sfence  }
0x2f: {  	s30 =	sld [smem:$0x0];
	_ =	sdelay $0x2  }
0x30: {  	s31 =	sshll.u32 s1, $0xD;
	s1 =	sshrl.u32 s1, $0x2  }
0x31: {  	s3 =	sand.u32 $0x4000, s31;
	s1 =	sadd.s32 s1, s30  }
0x32: {  	s0 =	sor.u32 s3, s0;
	s1 =	sshll.u32 s1, $0x11  }
0x33: {  	s0 =	sor.u32 s1, s0  }
0x34: {  	s0 =	sadd.s32 $0x8F2B, s0  }
0x35: {  	[sflag:s0] =	ssyncadd.remote.s32 $0x1  }
0x36: {  	_ =	sfence.sel $0xFFFF  }
0x37: {  	[dreg:$0x0] =	wrdreg $0xFFFFFFFF;
	(pc) =	sbr.abs _section_cstart, $3  }
0x38: {  	[dreg:$0x1] =	wrdreg $0xFFFFFFFF  }
0x39: {  	_ =	task.clear_ibuf [dreg:s7], $0x2FFFF;
	_ =	strace $0x9FFFFFFF  }
0x3a: {  	(tm) =	ssettm $0x7FFFFFFF  }
0x3b: {  	_ =	shalt  }
tec
execute0_lowered:
.L_overlay_start_1:
0x0: {  	(tag) =	ssettag $0x1  }
0x1: {  	s0 =	srdreg.scid  }
0x2: {  	s1 =	sshll.u32 s0, $0x4  }
0x3: {  	s6 =	rddreg [dreg:$0x0];
	s0 =	stileid.u32;
	s1 =	sand.u32 $0x10, s1  }
0x4: {  	s3 =	rddreg [dreg:$0x1];
	s1 =	sor.u32 s0, s1  }
0x5: {  	s5 =	simm.s32 $0x1;
	s31 =	simm.s32 $0x2;
	s2 =	sshll.u32 s1, $0x7  }
0x6: {  	s15 =	simm.s32 $0x0;
	s8 =	simm.s32 $0x8000;
	s4 =	ssub.s32 $0x1000, s2  }
0x7: {  	s14 =	simm.s32 $0x0;
	s9 =	simm.s32 $0x0;
	s30 =	sand.u32 $0xF80, s4  }
0x8: {  	s10 =	simm.s32 $0x0;
	s11 =	simm.s32 $0x0;
	p0 =	sne.s32 s30, $0x0  }
.Ltmp0:
0x9: {  	s7 =	sshrl.u32 s4, $0xC;
	s5 =	simm.s32 @!p0 $0x0;
	(pc) =	sbr.rel .LBB1_1-.Ltmp0, $4  }
0xa: {  	s13 =	simm.s32 $0x0;
	s1 =	rddreg [dreg:$0x2];
	s5 =	sadd.s32 s5, s7  }
0xb: {  	_ =	strace $0x8000004A;
	s4 =	simm.s32 $0x1;
	s5 =	smul.u32 $0x32, s5  }
0xc: {  	s6 =	sadd.s32 $0xA00, s6;
	s12 =	smov.u32 s2;
	[sflag:s4] =	ssyncpa.u1 $0x0  }
0xd: {  	[sflag:s31] =	ssyncpa.u1 $0x0;
	p0 =	por $0x0, $0x0;
	s7 =	sor.u32 $0x1, s5  }
.LBB1_4:
0xe: {  	s20 =	sshra.s32 s20, $0x2;
	s28 =	sshll.u32 s10, $0x3;
	p1 =	sgt.s32 s9, $0x31  }
0xf: {  	s21 =	smov.u32 s9;
	s23 =	sshra.s32 s9, $0x1F;
	s24 =	smov.u32 s10  }
0x10: {  	v5 =	vld [tilespmem:s17+$0xFFFFFFD0];
	[tilespmem:s18+$0x2040 ss:$0x81] =	vst.msk $0xffff, v4;
	s25 =	sshra.s32 s10, $0x1F;
	s26 =	sand.u32 $0x78, s10;
	s19 =	sadd.s32 s20, s19  }
0x11: {  	v58 =	vld [tilespmem:s17+$0xFFFFFFE0];
	[tilespmem:s18+$0x2850 ss:$0x81] =	vst.msk $0xffff, v3;
	s22 =	sshrl.u32 s28, $0xC;
	s21 =	simm.s32 @!p1 $0x31;
	s23 =	sand.u32 s23, s9  }
0x12: {  	v59 =	vld [tilespmem:s17+$0xFFFFFFF0];
	[tilespmem:s18+$0x3060 ss:$0x81] =	vst.msk $0xffff, v2;
	p1 =	sgt.s32 s10, $0xF80;
	s29 =	sand.u32 s25, s10;
	s20 =	sand.u32 $0xC00, s28  }
0x13: {  	v60 =	vld [tilespmem:s17+$0x0];
	[tilespmem:s18+$0x0 ss:$0x81] =	vst.msk $0xffff, v0;
	s28 =	smul.u32 $0x9000, s9;
	s21 =	ssub.s32 s21, s23;
	s24 =	simm.s32 @!p1 $0xF80  }
0x14: {  	v61 =	vld [tilespmem:s17+$0x10];
	s30 =	smulhi.u32 $0x38E38E4, s22;
	[tilespmem:s19+$0x3870 ss:$0x81] =	vst.msk $0xffff, v1;
	s20 =	sor.u32 s26, s20;
	s31 =	ssub.s32 $0x32, s21  }
0x15: {  	v62 =	vld [tilespmem:s17+$0x20];
	s23 =	ssub.s32 s24, s29;
	s21 =	sadd.s32 $0xFFFFFFCF, s21;
	s25 =	smul.u32 $0x48, s31;
	[tilespmem:s19+$0x810 ss:$0x81] =	vst.msk $0xffff, v5  }
0x16: {  	v63 =	vld [tilespmem:s17+$0xFFFFFFC0];
	s18 =	smul.u32 $0x48, s30;
	p1 =	sgt.s32 s21, $0x0;
	s27 =	sadd.s32 $0xFFFFF080, s23;
	[tilespmem:s19+$0x1020 ss:$0x81] =	vst.msk $0xffff, v58  }
0x17: {  	s17 =	ssub.s32 $0x1000, s23;
	[tilespmem:s19+$0x1830 ss:$0x81] =	vst.msk $0xffff, v59;
	s25 =	simm.s32 @p1 $0x0;
	p1 =	sgt.s32 s27, $0x7F  }
0x18: {  	s29 =	sand.u32 $0x7, s10;
	[tilespmem:s19+$0x2040 ss:$0x81] =	vst.msk $0xffff, v60;
	s18 =	ssub.s32 s22, s18;
	s17 =	simm.s32 @p1 $0x0  }
0x19: {  	s21 =	sadd.s32 s3, s28;
	[tilespmem:s19+$0x2850 ss:$0x81] =	vst.msk $0xffff, v61;
	s18 =	sshll.u32 s18, $0x9;
	s17 =	smul.u32 s17, s25  }
0x1a: {  	s20 =	sshrl.u32 s20, $0x3;
	s30 =	sshll.u32 s29, $0x12;
	[tilespmem:s19+$0x3060 ss:$0x81] =	vst.msk $0xffff, v62;
	s18 =	sadd.s32 s18, s21  }
0x1b: {  	[tilespmem:s19+$0x0 ss:$0x81] =	vst.msk $0xffff, v63;
	s31 =	sor.u32 $0x400, s30;
	s18 =	sadd.s32 s20, s18;
	s17 =	sand.u32 $0x3FFFFFF8, s17  }
0x1c: {  	[hbm4b:s18+s31] =	stream.strided.scatter [tilespmem:s16], [sflag:$0x2], s17, s8, s31, $0x20;
	[tilespmem:$0x10100] =	vst v63  }
.LBB1_5:
0x1d: {  	p1 =	slt.u32 s13, $0x2  }
0x1e: {  	s17 =	smov.u32 s15;
	p2 =	sgt.s32 @!p1 s15, $0x31;
	s16 =	sshra.s32 @!p1 s15, $0x1F  }
0x1f: {  	p3 =	sgt.s32 @!p1 s14, $0xF80;
	s18 =	sshra.s32 @!p1 s14, $0x1F;
	p2 =	por !p2, p1  }
0x20: {  	s15 =	sand.u32 @!p1 s16, s15;
	p3 =	por !p3, p1;
	s16 =	smov.u32 s14  }
0x21: {  	s14 =	sand.u32 @!p1 s18, s14;
	s17 =	simm.s32 @p2 $0x31;
	s16 =	simm.s32 @p3 $0xF80  }
0x22: {  	s18 =	smov.u32 s12;
	s15 =	ssub.s32 @!p1 s17, s15;
	s14 =	ssub.s32 @!p1 s16, s14  }
0x23: {  	s16 =	sadd.s32 @!p1 $0xFFFFFFCF, s15;
	s15 =	ssub.s32 @!p1 $0x32, s15;
	s17 =	sadd.s32 @!p1 $0xFFFFF080, s14  }
0x24: {  	p2 =	sgt.s32 @!p1 s16, $0x0;
	s15 =	smul.u32 @!p1 $0x48, s15;
	p3 =	sgt.s32 @!p1 s17, $0x7F  }
0x25: {  	s14 =	ssub.s32 @!p1 $0x1000, s14;
	p2 =	por !p2, p1;
	p3 =	por !p3, p1  }
0x26: {  	s16 =	sadd.s32 $0x1, s11;
	s15 =	simm.s32 @!p2 $0x0;
	s14 =	simm.s32 @!p3 $0x0  }
0x27: {  	p2 =	sgt.s32 s16, $0x31;
	s14 =	smul.u32 @!p1 s14, s15;
	s15 =	sadd.s32 $0x1000, s12  }
0x28: {  	s18 =	smov.u32 @p2 s15  }
0x29: {  	s16 =	simm.s32 @p2 $0x0;
	p2 =	sgt.s32 s18, $0xFFF  }
0x2a: {  	s18 =	smov.u32 @p2 s2;
	p2 =	sne.s32 s13, s7  }
.Ltmp1:
0x2b: {  	p0 =	por !p0, !p0;
	s17 =	simm.s32 @!p1 $0x2;
	(pc) =	sbr.rel @!p2 .LBB1_6-.Ltmp1, $4  }
0x2c: {  	s15 =	smov.u32 s9;
	s9 =	smov.u32 s11;
	s14 =	sand.u32 @!p1 $0x3FFFFFF8, s14  }
0x2d: {  	s11 =	smov.u32 s16;
	_ =	swait.ge @!p1 [sflag:s17], s14;
	s19 =	ssub.s32 @!p1 $0x0, s14  }
0x2e: {  	s14 =	smov.u32 s10;
	s13 =	sadd.s32 $0x1, s13;
	[sflag:s17] =	ssyncset.done @!p1 $0x0  }
0x2f: {  	s10 =	smov.u32 s12;
	s12 =	smov.u32 s18;
	[sflag:s17] =	ssyncadd.s32 @!p1 s19  }
.LBB1_1:
0x30: {  	p1 =	sge.u32 s13, s5  }
0x31: {  	s16 =	sand.u32 @!p1 $0x1FFFFFF, s11  }
0x32: {  	s17 =	smulhi.u32 @!p1 $0x4924925, s16;
	_ =	sdelay $0x1  }
0x33: {  	s17 =	smul.u32 @!p1 $0x38, s17  }
0x34: {  	s18 =	sxor.u32 @!p1 $0xFFFFFFFF, s13;
	s19 =	smul.u32 @!p1 $0x380, s12  }
0x35: {  	s31 =	sadd.s32 $0xFFFFFFFF, s13;
	s18 =	sshll.u32 @!p1 s18, $0xE;
	s16 =	ssub.s32 @!p1 s16, s17  }
0x36: {  	s17 =	sand.u32 @!p1 $0x4000, s18;
	s18 =	sadd.s32 @!p1 s6, s19;
	s16 =	sshll.u32 @!p1 s16, $0x4  }
0x37: {  	s19 =	simm.s32 @!p1 $0x1C00;
	s16 =	sadd.s32 @!p1 s16, s18;
	s18 =	simm.s32 @!p1 $0x80  }
0x38: {  	[tilespmem:s17], [sflag:$0x1] =	stream.strided.gather @!p1 [hbm4b:s16+s18], $0x4000, s19, s18, $0x38;
	[tilespmem:$0x10100] =	vst v63  }
0x39: {  	p1 =	sge.u32 s31, s5  }
.Ltmp2:
0x3a: {  	_ = 	snop;
	(pc) =	sbr.rel @p1 .LBB1_5-.Ltmp2, $1  }
0x3b: {  	_ =	sdelay $0x3  }
0x3c: {  	s16 =	simm.s32 $0x1  }
0x3d: {  	_ =	swait.ge [sflag:s4], $0x4000;
	s16 =	simm.s32 @!p0 $0x0  }
0x3e: {  	[sflag:s4] =	ssyncset.done $0x0;
	s17 =	sshll.u32 s16, $0xE  }
0x3f: {  	[sflag:s4] =	ssyncadd.s32 $0xFFFFC000;
	s17 =	sor.u32 $0x40, s17  }
0x40: {  	s16 =	smul.u32 $0x10200, s16;
	v0 =	vld [tilespmem:s17+$0x30]  }
0x41: {  	v1 =	vld [tilespmem:s17+$0xFFFFFFD0]  }
0x42: {  	s16 =	sshrl.u32 s16, $0x2;
	v5 =	vld [tilespmem:s17+$0xFFFFFFE0]  }
0x43: {  	v6 =	vld [tilespmem:s17+$0xFFFFFFF0];
	s19 =	sor.u32 $0x8000, s16  }
0x44: {  	s31 =	sand.u32 $0x1, s13;
	v4 =	vld [tilespmem:s17+$0x0];
	s18 =	sadd.s32 $0x0, s19  }
0x45: {  	v3 =	vld [tilespmem:s17+$0x10];
	s16 =	smul.u32 $0x10200, s31;
	[tilespmem:s18+$0x3870 ss:$0x81] =	vst.msk $0xffff, v0  }
0x46: {  	v2 =	vld [tilespmem:s17+$0x20];
	[tilespmem:s18+$0x810 ss:$0x81] =	vst.msk $0xffff, v1  }
0x47: {  	s16 =	sshrl.u32 s16, $0x2;
	v0 =	vld [tilespmem:s17+$0xFFFFFFC0];
	[tilespmem:s18+$0x1020 ss:$0x81] =	vst.msk $0xffff, v5;
	s17 =	sadd.s32 $0x80, s17  }
0x48: {  	s20 =	simm.s32 $0x4;
	s21 =	simm.s32 $0x8;
	s16 =	sor.u32 $0x8000, s16;
	[tilespmem:s18+$0x1830 ss:$0x81] =	vst.msk $0xffff, v6;
	v1 =	vld [tilespmem:s17+$0x30]  }
.LBB1_3:
0x49: {  	p1 =	sne.s32 s21, $0x1FC;
	v5 =	vld [tilespmem:s17+$0xFFFFFFD0];
	[tilespmem:s18+$0x2040 ss:$0x81] =	vst.msk $0xffff, v4  }
0x4a: {  	v6 =	vld [tilespmem:s17+$0xFFFFFFE0];
	[tilespmem:s18+$0x2850 ss:$0x81] =	vst.msk $0xffff, v3  }
0x4b: {  	s22 =	sshra.s32 s20, $0x2;
	s20 =	smov.u32 s21;
	v7 =	vld [tilespmem:s17+$0xFFFFFFF0];
	[tilespmem:s18+$0x3060 ss:$0x81] =	vst.msk $0xffff, v2  }
.Ltmp3:
0x4c: {  	v4 =	vld [tilespmem:s17+$0x0];
	[tilespmem:s18+$0x0 ss:$0x81] =	vst.msk $0xffff, v0;
	s18 =	sadd.s32 s22, s19;
	(pc) =	sbr.rel @p1 .LBB1_3-.Ltmp3, $4  }
0x4d: {  	v3 =	vld [tilespmem:s17+$0x10];
	[tilespmem:s18+$0x3870 ss:$0x81] =	vst.msk $0xffff, v1  }
0x4e: {  	[tilespmem:s18+$0x810 ss:$0x81] =	vst.msk $0xffff, v5;
	v2 =	vld [tilespmem:s17+$0x20]  }
0x4f: {  	v0 =	vld [tilespmem:s17+$0xFFFFFFC0];
	[tilespmem:s18+$0x1020 ss:$0x81] =	vst.msk $0xffff, v6;
	s17 =	sadd.s32 $0x80, s17  }
0x50: {  	s21 =	sadd.s32 $0x4, s21;
	v1 =	vld [tilespmem:s17+$0x30];
	[tilespmem:s18+$0x1830 ss:$0x81] =	vst.msk $0xffff, v7  }
.Ltmp4:
0x51: {  	_ = 	snop;
	(pc) =	sbr.rel .LBB1_4-.Ltmp4, $1  }
0x52: {  	_ =	sdelay $0x3  }
.LBB1_6:
0x53: {  	_ =	sfence.sel $0x180000  }
0x54: {  	s2 =	simm.s32 $0x1;
	[bflag:$0x0] =	sbarrier.arrive $0xFFFF  }
0x55: {  	s31 =	simm.s32 $0x2;
	[sflag:s2] =	ssyncpa.u1 $0x1  }
0x56: {  	[sflag:s31] =	ssyncpa.u1 $0x1  }
0x57: {  	p0 =	sne.s32 s0, $0x0;
	_ =	strace $0x9000004A  }
0x58: {  	s0 =	sadd.s32 @!p0 $0x100000, s1;
	[bflag:$0x2] =	sbarrier.arrive $0xFFFF  }
0x59: {  	[sflag:s0] =	ssyncadd.tile.s32 @!p0 $0x1;
	_ =	shalt  }
.Lfunc_end1:
_tile_overlayer_lowered:
.L_overlay_start_2:
0x5a: {  	(tag) =	ssettag $0x2  }
0x5b: {  	s0 =	rddreg [dreg:$0x0];
	s2 =	stileid.u32  }
0x5c: {  	s1 =	rddreg [dreg:$0x1];
	p0 =	sne.s32 s2, $0x0  }
0x5d: {  	s3 =	rddreg [dreg:$0x2];
	[bflag:$0x3] =	sbarrier.arrive $0xFFFF;
	s2 =	simm.s32 @!p0 $0x1C01  }
0x5e: {  	[timem:s3], [sflag:s2] =	dma.local @!p0 [hbm:s0], s1  }
0x5f: {  	s0 =	simm.s32 @!p0 $0x1  }
0x60: {  	_ =	swait.ge @!p0 [sflag:s0], s1  }
0x61: {  	s1 =	ssub.s32 @!p0 $0x0, s1;
	[sflag:s0] =	ssyncset.done @!p0 $0x0  }
0x62: {  	[sflag:s0] =	ssyncadd.s32 @!p0 s1  }
0x63: {  	[bflag:$0x3] =	sbarrier.arrive $0xFFFF  }
0x64: {  	_ =	shalt  }

</sc_bundles>
